<compile_context>
chip_gen: v7x
topology: tpu7x:2x2x1
jax: 0.10.2.dev20260603
libtpu: 0.0.44.dev20260713+nightly
codegen_flags: <defaults>
</compile_context>

<pallas_src>
import jax
import jax.numpy as jnp
from jax.experimental import pallas as pl
from jax.experimental.pallas import tpu as pltpu

_B, _N, _H = 1024, 50, 128
_ACT = 19
_BB = 32
_R = _BB * _N
_NP = 64
_P = _BB * _NP


def _fused(obs_ref, rnn_ref, masks_ref, W_obs_ref, b_obs_ref, W_ih_ref,
           W_hh_ref, b_gates_ref, W_me_ref, b_me_ref, W_g1_ref, A1_ref,
           W_g2_ref, A2_ref, W_md_ref, b_md_ref, W_act_ref, b_act_ref,
           out_ref):
    f32 = jnp.float32

    x = jnp.tanh(jnp.dot(obs_ref[...], W_obs_ref[...],
                         preferred_element_type=f32) + b_obs_ref[...])
    m = masks_ref[...]
    h0 = rnn_ref[:, :_H] * m
    c0 = rnn_ref[:, _H:] * m
    gates = (jnp.dot(x, W_ih_ref[...], preferred_element_type=f32)
             + jnp.dot(h0, W_hh_ref[...], preferred_element_type=f32)
             + b_gates_ref[...])
    ig = jax.nn.sigmoid(gates[:, :_H])
    fg = jax.nn.sigmoid(gates[:, _H:2 * _H])
    gg = jnp.tanh(gates[:, 2 * _H:3 * _H])
    og = jax.nn.sigmoid(gates[:, 3 * _H:])
    c = fg * c0 + ig * gg
    h = og * jnp.tanh(c)

    comm = jnp.dot(h, W_me_ref[...], preferred_element_type=f32) + b_me_ref[...]

    zpad = jnp.zeros((_NP - _N, _H), f32)
    pieces = []
    for k in range(_BB):
        pieces.append(jnp.concatenate(
            [comm[k * _N:(k + 1) * _N, :], zpad], axis=0).reshape(1, _NP, _H))
    cp3 = jnp.concatenate(pieces, axis=0)

    lane = jax.lax.broadcasted_iota(jnp.int32, (1, 1, _NP), 2)
    padm = jnp.where(lane < _N, 0.0, -1e9).astype(f32)


    def gat(cin3, W, WA, heads, dout):
        Wh3 = jax.lax.dot_general(cin3, W, (((2,), (0,)), ((), ())),
                                  preferred_element_type=f32)
        sd3 = jax.lax.dot_general(cin3, WA, (((2,), (0,)), ((), ())),
                                  preferred_element_type=f32)
        if heads == 1:
            src_s = sd3[:, :, 0:1]
            dst_s = sd3[:, :, 1:2]
            rhs_s = Wh3
        else:
            src_s = jnp.concatenate(
                [sd3[:, :, hd:hd + 1] for hd in range(heads)], axis=0)
            dst_s = jnp.concatenate(
                [sd3[:, :, heads + hd:heads + hd + 1]
                 for hd in range(heads)], axis=0)
            rhs_s = jnp.concatenate(
                [Wh3[:, :, hd * dout:(hd + 1) * dout]
                 for hd in range(heads)], axis=0)
        dst_t = jnp.transpose(dst_s, (0, 2, 1))
        t = src_s + jnp.max(dst_t, axis=2, keepdims=True)
        rowmax = jnp.maximum(t, 0.2 * t)
        e = src_s + dst_t
        e = jnp.maximum(e, 0.2 * e) + (padm - rowmax)
        w = jnp.exp(e)
        num = jax.lax.dot_general(
            w, rhs_s, (((2,), (1,)), ((0,), (0,))),
            preferred_element_type=f32)
        o = num / jnp.sum(w, axis=2, keepdims=True)
        if heads > 1:
            o = jnp.concatenate(
                [o[hd * _BB:(hd + 1) * _BB] for hd in range(heads)], axis=2)
        return o

    c1 = gat(cp3, W_g1_ref[...], A1_ref[...], 4, 32)
    c1 = jnp.where(c1 > 0, c1, jnp.exp(jnp.minimum(c1, 0.0)) - 1.0)
    c2 = gat(c1, W_g2_ref[...], A2_ref[...], 1, 128)

    co = jnp.concatenate([c2[k, :_N, :] for k in range(_BB)],
                         axis=0)

    comm_out = jnp.dot(co, W_md_ref[...], preferred_element_type=f32) + b_md_ref[...]
    feat = jnp.concatenate([h, comm_out], axis=1)
    out_ref[...] = (jnp.dot(feat, W_act_ref[...], preferred_element_type=f32)
                    + b_act_ref[...])


def kernel(obs, rnn_states, masks, W_obs, b_obs, W_ih, W_hh, b_ih, b_hh,
           W_me, b_me, W_g1, a_g1, W_g2, a_g2, W_md, b_md, W_act, b_act):
    BN = _B * _N
    rnn2 = rnn_states.reshape(BN, 2 * _H)
    b_gates = (b_ih + b_hh).reshape(1, 4 * _H)

    eye4 = jnp.eye(4, dtype=jnp.float32)
    A1s = (a_g1[:, :32, None] * eye4[:, None, :]).reshape(128, 4)
    A1d = (a_g1[:, 32:, None] * eye4[:, None, :]).reshape(128, 4)
    A1 = jnp.concatenate([A1s, A1d], axis=1)
    A2 = jnp.stack([a_g2[0, :128], a_g2[0, 128:]], axis=1)
    WA1 = W_g1 @ A1
    WA2 = W_g2 @ A2

    def full(shape):
        return pl.BlockSpec(shape, lambda i: (0,) * len(shape))

    grid = (_B // _BB,)
    return pl.pallas_call(
        _fused,
        grid=grid,
        in_specs=[
            pl.BlockSpec((_R, 128), lambda i: (i, 0)),
            pl.BlockSpec((_R, 2 * _H), lambda i: (i, 0)),
            pl.BlockSpec((_R, 1), lambda i: (i, 0)),
            full((128, _H)),
            full((1, _H)),
            full((_H, 4 * _H)),
            full((_H, 4 * _H)),
            full((1, 4 * _H)),
            full((_H, _H)),
            full((1, _H)),
            full((_H, 128)),
            full((128, 8)),
            full((128, 128)),
            full((128, 2)),
            full((_H, _H)),
            full((1, _H)),
            full((2 * _H, _ACT)),
            full((1, _ACT)),
        ],
        out_specs=pl.BlockSpec((_R, _ACT), lambda i: (i, 0)),
        out_shape=jax.ShapeDtypeStruct((BN, _ACT), jnp.float32),
        compiler_params=pltpu.CompilerParams(
            dimension_semantics=("parallel",)),
    )(obs, rnn2, masks, W_obs, b_obs.reshape(1, _H), W_ih, W_hh, b_gates,
      W_me, b_me.reshape(1, _H), W_g1, WA1, W_g2, WA2, W_md,
      b_md.reshape(1, _H), W_act, b_act.reshape(1, _ACT))

# --- scband reference (transcript-rebuilt; emitter-appended) ---
"""Pipeline reference for scband-magic-actor-76321568850479 (READ-ONLY COPY).

The authoritative reference and input builder live on the scoring server;
editing this copy changes nothing except your own understanding.
"""

import jax, jax.numpy as jnp
import numpy as np

B, N, H = 1024, 50, 128
BN = B * N
ACT = 19

def setup_inputs(seed: int = 0) -> dict:
    key = jax.random.key(seed)
    ks = jax.random.split(key, 20)
    s = 0.05
    return {
        'obs': jax.random.normal(ks[0], (BN, 128), jnp.float32),
        'rnn_states': jax.random.normal(ks[1], (BN, 2, H), jnp.float32),
        'masks': jnp.ones((BN, 1), jnp.float32),
        'W_obs': jax.random.normal(ks[2], (128, H), jnp.float32) * s,
        'b_obs': jnp.zeros((H,), jnp.float32),
        'W_ih': jax.random.normal(ks[3], (H, 4 * H), jnp.float32) * s,
        'W_hh': jax.random.normal(ks[4], (H, 4 * H), jnp.float32) * s,
        'b_ih': jnp.zeros((4 * H,), jnp.float32),
        'b_hh': jnp.zeros((4 * H,), jnp.float32),
        'W_me': jax.random.normal(ks[5], (H, H), jnp.float32) * s,
        'b_me': jnp.zeros((H,), jnp.float32),
        'W_g1': jax.random.normal(ks[6], (H, 4 * 32), jnp.float32) * s,
        'a_g1': jax.random.normal(ks[7], (4, 64), jnp.float32) * s,
        'W_g2': jax.random.normal(ks[8], (128, 128), jnp.float32) * s,
        'a_g2': jax.random.normal(ks[9], (1, 256), jnp.float32) * s,
        'W_md': jax.random.normal(ks[10], (H, H), jnp.float32) * s,
        'b_md': jnp.zeros((H,), jnp.float32),
        'W_act': jax.random.normal(ks[11], (2 * H, ACT), jnp.float32) * s,
        'b_act': jnp.zeros((ACT,), jnp.float32),
    }

def _gat(cin, W, a, heads, dout, adj, average):
    Wh = (cin @ W).reshape(B, N, heads, dout)
    a_src = (Wh * a[:, :dout]).sum(-1)  # [B,N,heads]
    a_dst = (Wh * a[:, dout:]).sum(-1)
    e = a_src[:, :, None, :] + a_dst[:, None, :, :]  # [B,Ni,Nj,heads]
    e = jax.nn.leaky_relu(e, 0.2)
    e = jnp.where(adj[..., None] > 0, e, -1e9)
    attn = jax.nn.softmax(e, axis=2)
    out = jnp.einsum('bijh,bjhd->bihd', attn, Wh)
    if average:
        return out.mean(axis=2)
    return out.reshape(B, N, heads * dout)

def reference(obs, rnn_states, masks, W_obs, b_obs, W_ih, W_hh, b_ih, b_hh,
              W_me, b_me, W_g1, a_g1, W_g2, a_g2, W_md, b_md, W_act, b_act):
    x = jnp.tanh(obs @ W_obs + b_obs)
    h0 = rnn_states[:, 0, :] * masks
    c0 = rnn_states[:, 1, :] * masks
    gates = x @ W_ih + b_ih + h0 @ W_hh + b_hh
    i, f, g, o = jnp.split(gates, 4, axis=-1)
    i = jax.nn.sigmoid(i); f = jax.nn.sigmoid(f)
    g = jnp.tanh(g); o = jax.nn.sigmoid(o)
    c = f * c0 + i * g
    h = o * jnp.tanh(c)
    comm = h.reshape(B, N, H)
    comm = comm @ W_me + b_me  # message encoder
    adj = jnp.ones((B, N, N), jnp.float32)  # complete graph, self loops kept (self_loop_type=1)
    c1 = jax.nn.elu(_gat(comm, W_g1, a_g1, 4, 32, adj, False))
    c2 = _gat(c1, W_g2, a_g2, 1, 128, adj, True)
    comm_out = c2 @ W_md + b_md  # message decoder
    feat = jnp.concatenate([h, comm_out.reshape(BN, H)], axis=-1)
    logits = feat @ W_act + b_act
    return logits

if __name__ == "__main__":
    import jax
    _d = setup_inputs()
    print(jax.jit(kernel)(*tuple(_d.values())))

</pallas_src>

<mosaic_0001>
module attributes {stable_mosaic.version = 14 : i64} {
  func.func @_fused(%arg0: i32, %arg1: memref<1600x128xf32, #tpu.memory_space<vmem>>, %arg2: memref<1600x256xf32, #tpu.memory_space<vmem>>, %arg3: memref<1600x1xf32, #tpu.memory_space<vmem>>, %arg4: memref<128x128xf32, #tpu.memory_space<vmem>>, %arg5: memref<1x128xf32, #tpu.memory_space<vmem>>, %arg6: memref<128x512xf32, #tpu.memory_space<vmem>>, %arg7: memref<128x512xf32, #tpu.memory_space<vmem>>, %arg8: memref<1x512xf32, #tpu.memory_space<vmem>>, %arg9: memref<128x128xf32, #tpu.memory_space<vmem>>, %arg10: memref<1x128xf32, #tpu.memory_space<vmem>>, %arg11: memref<128x128xf32, #tpu.memory_space<vmem>>, %arg12: memref<128x8xf32, #tpu.memory_space<vmem>>, %arg13: memref<128x128xf32, #tpu.memory_space<vmem>>, %arg14: memref<128x2xf32, #tpu.memory_space<vmem>>, %arg15: memref<128x128xf32, #tpu.memory_space<vmem>>, %arg16: memref<1x128xf32, #tpu.memory_space<vmem>>, %arg17: memref<256x19xf32, #tpu.memory_space<vmem>>, %arg18: memref<1x19xf32, #tpu.memory_space<vmem>>, %arg19: memref<1600x19xf32, #tpu.memory_space<vmem>>) attributes {dimension_semantics = [#tpu.dimension_semantics<parallel>], iteration_bounds = array<i64: 32>, scalar_prefetch = 0 : i64, scratch_operands = 0 : i64, tpu.core_type = #tpu.core_type<tc>, window_params = [{transform_indices = @transform_0, window_bounds = array<i64: 1600, 128>}, {transform_indices = @transform_1, window_bounds = array<i64: 1600, 256>}, {transform_indices = @transform_2, window_bounds = array<i64: 1600, 1>}, {pipeline_mode = #tpu.pipeline_mode<synchronous>, transform_indices = @transform_3, window_bounds = array<i64: 128, 128>}, {pipeline_mode = #tpu.pipeline_mode<synchronous>, transform_indices = @transform_4, window_bounds = array<i64: 1, 128>}, {pipeline_mode = #tpu.pipeline_mode<synchronous>, transform_indices = @transform_5, window_bounds = array<i64: 128, 512>}, {pipeline_mode = #tpu.pipeline_mode<synchronous>, transform_indices = @transform_6, window_bounds = array<i64: 128, 512>}, {pipeline_mode = #tpu.pipeline_mode<synchronous>, transform_indices = @transform_7, window_bounds = array<i64: 1, 512>}, {pipeline_mode = #tpu.pipeline_mode<synchronous>, transform_indices = @transform_8, window_bounds = array<i64: 128, 128>}, {pipeline_mode = #tpu.pipeline_mode<synchronous>, transform_indices = @transform_9, window_bounds = array<i64: 1, 128>}, {pipeline_mode = #tpu.pipeline_mode<synchronous>, transform_indices = @transform_10, window_bounds = array<i64: 128, 128>}, {pipeline_mode = #tpu.pipeline_mode<synchronous>, transform_indices = @transform_11, window_bounds = array<i64: 128, 8>}, {pipeline_mode = #tpu.pipeline_mode<synchronous>, transform_indices = @transform_12, window_bounds = array<i64: 128, 128>}, {pipeline_mode = #tpu.pipeline_mode<synchronous>, transform_indices = @transform_13, window_bounds = array<i64: 128, 2>}, {pipeline_mode = #tpu.pipeline_mode<synchronous>, transform_indices = @transform_14, window_bounds = array<i64: 128, 128>}, {pipeline_mode = #tpu.pipeline_mode<synchronous>, transform_indices = @transform_15, window_bounds = array<i64: 1, 128>}, {pipeline_mode = #tpu.pipeline_mode<synchronous>, transform_indices = @transform_16, window_bounds = array<i64: 256, 19>}, {pipeline_mode = #tpu.pipeline_mode<synchronous>, transform_indices = @transform_17, window_bounds = array<i64: 1, 19>}, {transform_indices = @transform_18, window_bounds = array<i64: 1600, 19>}]} {
    %get3A = arith.constant 0 : index
    %get3A_0 = arith.constant 0 : index
    %get3A_1 = vector.load %arg1[%get3A, %get3A_0] : memref<1600x128xf32, #tpu.memory_space<vmem>>, vector<1600x128xf32>
    %get3A_2 = arith.constant 0 : index
    %get3A_3 = arith.constant 0 : index
    %get3A_4 = vector.load %arg4[%get3A_2, %get3A_3] : memref<128x128xf32, #tpu.memory_space<vmem>>, vector<128x128xf32>
    %dot_general3A = arith.constant dense<0.000000e+00> : vector<1600x128xf32>
    %dot_general3A_5 = tpu.matmul %get3A_1, %get3A_4, %dot_general3A {dimension_numbers = #tpu.dot_dimension_numbers<[1], [0], [0], [1], [0, 0, 1, 1], [], []>, transpose_lhs_hint = false} : vector<1600x128xf32>, vector<128x128xf32>, vector<1600x128xf32> -> vector<1600x128xf32>
    %get3A_6 = arith.constant 0 : index
    %get3A_7 = arith.constant 0 : index
    %get3A_8 = vector.load %arg5[%get3A_6, %get3A_7] : memref<1x128xf32, #tpu.memory_space<vmem>>, vector<1x128xf32>
    %add3A = vector.broadcast %get3A_8 : vector<1x128xf32> to vector<1600x128xf32>
    %add3A_9 = arith.addf %dot_general3A_5, %add3A : vector<1600x128xf32>
    %tanh3A = math.tanh %add3A_9 : vector<1600x128xf32>
    %get3A_10 = arith.constant 0 : index
    %get3A_11 = arith.constant 0 : index
    %get3A_12 = vector.load %arg3[%get3A_10, %get3A_11] : memref<1600x1xf32, #tpu.memory_space<vmem>>, vector<1600x1xf32>
    %get3A_13 = arith.constant 0 : index
    %get3A_14 = arith.constant 0 : index
    %get3A_15 = vector.load %arg2[%get3A_13, %get3A_14] : memref<1600x256xf32, #tpu.memory_space<vmem>>, vector<1600x128xf32>
    %mul3A = vector.broadcast %get3A_12 : vector<1600x1xf32> to vector<1600x128xf32>
    %mul3A_16 = arith.mulf %get3A_15, %mul3A : vector<1600x128xf32>
    %get3A_17 = arith.constant 0 : index
    %get3A_18 = arith.constant 128 : index
    %get3A_19 = vector.load %arg2[%get3A_17, %get3A_18] : memref<1600x256xf32, #tpu.memory_space<vmem>>, vector<1600x128xf32>
    %mul3A_20 = vector.broadcast %get3A_12 : vector<1600x1xf32> to vector<1600x128xf32>
    %mul3A_21 = arith.mulf %get3A_19, %mul3A_20 : vector<1600x128xf32>
    %get3A_22 = arith.constant 0 : index
    %get3A_23 = arith.constant 0 : index
    %get3A_24 = vector.load %arg6[%get3A_22, %get3A_23] : memref<128x512xf32, #tpu.memory_space<vmem>>, vector<128x512xf32>
    %dot_general3A_25 = arith.constant dense<0.000000e+00> : vector<1600x512xf32>
    %dot_general3A_26 = tpu.matmul %tanh3A, %get3A_24, %dot_general3A_25 {dimension_numbers = #tpu.dot_dimension_numbers<[1], [0], [0], [1], [0, 0, 1, 1], [], []>, transpose_lhs_hint = false} : vector<1600x128xf32>, vector<128x512xf32>, vector<1600x512xf32> -> vector<1600x512xf32>
    %get3A_27 = arith.constant 0 : index
    %get3A_28 = arith.constant 0 : index
    %get3A_29 = vector.load %arg7[%get3A_27, %get3A_28] : memref<128x512xf32, #tpu.memory_space<vmem>>, vector<128x512xf32>
    %dot_general3A_30 = arith.constant dense<0.000000e+00> : vector<1600x512xf32>
    %dot_general3A_31 = tpu.matmul %mul3A_16, %get3A_29, %dot_general3A_30 {dimension_numbers = #tpu.dot_dimension_numbers<[1], [0], [0], [1], [0, 0, 1, 1], [], []>, transpose_lhs_hint = false} : vector<1600x128xf32>, vector<128x512xf32>, vector<1600x512xf32> -> vector<1600x512xf32>
    %add3A_32 = arith.addf %dot_general3A_26, %dot_general3A_31 : vector<1600x512xf32>
    %get3A_33 = arith.constant 0 : index
    %get3A_34 = arith.constant 0 : index
    %get3A_35 = vector.load %arg8[%get3A_33, %get3A_34] : memref<1x512xf32, #tpu.memory_space<vmem>>, vector<1x512xf32>
    %add3A_36 = vector.broadcast %get3A_35 : vector<1x512xf32> to vector<1600x512xf32>
    %add3A_37 = arith.addf %add3A_32, %add3A_36 : vector<1600x512xf32>
    %slice3A = vector.extract_strided_slice %add3A_37 {offsets = [0, 0], sizes = [1600, 128], strides = [1, 1]} : vector<1600x512xf32> to vector<1600x128xf32>
    %logistic3A = arith.negf %slice3A : vector<1600x128xf32>
    %logistic3A_38 = math.exp %logistic3A : vector<1600x128xf32>
    %logistic3A_39 = arith.constant 1.000000e+00 : f32
    %logistic3A_40 = vector.broadcast %logistic3A_39 : f32 to vector<1600x128xf32>
    %logistic3A_41 = arith.addf %logistic3A_40, %logistic3A_38 : vector<1600x128xf32>
    %logistic3A_42 = arith.divf %logistic3A_40, %logistic3A_41 : vector<1600x128xf32>
    %slice3A_43 = vector.extract_strided_slice %add3A_37 {offsets = [0, 128], sizes = [1600, 128], strides = [1, 1]} : vector<1600x512xf32> to vector<1600x128xf32>
    %logistic3A_44 = arith.negf %slice3A_43 : vector<1600x128xf32>
    %logistic3A_45 = math.exp %logistic3A_44 : vector<1600x128xf32>
    %logistic3A_46 = arith.constant 1.000000e+00 : f32
    %logistic3A_47 = vector.broadcast %logistic3A_46 : f32 to vector<1600x128xf32>
    %logistic3A_48 = arith.addf %logistic3A_47, %logistic3A_45 : vector<1600x128xf32>
    %logistic3A_49 = arith.divf %logistic3A_47, %logistic3A_48 : vector<1600x128xf32>
    %slice3A_50 = vector.extract_strided_slice %add3A_37 {offsets = [0, 256], sizes = [1600, 128], strides = [1, 1]} : vector<1600x512xf32> to vector<1600x128xf32>
    %tanh3A_51 = math.tanh %slice3A_50 : vector<1600x128xf32>
    %slice3A_52 = vector.extract_strided_slice %add3A_37 {offsets = [0, 384], sizes = [1600, 128], strides = [1, 1]} : vector<1600x512xf32> to vector<1600x128xf32>
    %logistic3A_53 = arith.negf %slice3A_52 : vector<1600x128xf32>
    %logistic3A_54 = math.exp %logistic3A_53 : vector<1600x128xf32>
    %logistic3A_55 = arith.constant 1.000000e+00 : f32
    %logistic3A_56 = vector.broadcast %logistic3A_55 : f32 to vector<1600x128xf32>
    %logistic3A_57 = arith.addf %logistic3A_56, %logistic3A_54 : vector<1600x128xf32>
    %logistic3A_58 = arith.divf %logistic3A_56, %logistic3A_57 : vector<1600x128xf32>
    %mul3A_59 = arith.mulf %logistic3A_49, %mul3A_21 : vector<1600x128xf32>
    %mul3A_60 = arith.mulf %logistic3A_42, %tanh3A_51 : vector<1600x128xf32>
    %add3A_61 = arith.addf %mul3A_59, %mul3A_60 : vector<1600x128xf32>
    %tanh3A_62 = math.tanh %add3A_61 : vector<1600x128xf32>
    %mul3A_63 = arith.mulf %logistic3A_58, %tanh3A_62 : vector<1600x128xf32>
    %get3A_64 = arith.constant 0 : index
    %get3A_65 = arith.constant 0 : index
    %get3A_66 = vector.load %arg9[%get3A_64, %get3A_65] : memref<128x128xf32, #tpu.memory_space<vmem>>, vector<128x128xf32>
    %dot_general3A_67 = arith.constant dense<0.000000e+00> : vector<1600x128xf32>
    %dot_general3A_68 = tpu.matmul %mul3A_63, %get3A_66, %dot_general3A_67 {dimension_numbers = #tpu.dot_dimension_numbers<[1], [0], [0], [1], [0, 0, 1, 1], [], []>, transpose_lhs_hint = false} : vector<1600x128xf32>, vector<128x128xf32>, vector<1600x128xf32> -> vector<1600x128xf32>
    %get3A_69 = arith.constant 0 : index
    %get3A_70 = arith.constant 0 : index
    %get3A_71 = vector.load %arg10[%get3A_69, %get3A_70] : memref<1x128xf32, #tpu.memory_space<vmem>>, vector<1x128xf32>
    %add3A_72 = vector.broadcast %get3A_71 : vector<1x128xf32> to vector<1600x128xf32>
    %add3A_73 = arith.addf %dot_general3A_68, %add3A_72 : vector<1600x128xf32>
    %broadcast_in_dim3A = arith.constant 0.000000e+00 : f32
    %broadcast_in_dim3A_74 = vector.broadcast %broadcast_in_dim3A : f32 to vector<14x128xf32>
    %slice3A_75 = vector.extract_strided_slice %add3A_73 {offsets = [0, 0], sizes = [50, 128], strides = [1, 1]} : vector<1600x128xf32> to vector<50x128xf32>
    %concatenate3A = tpu.concatenate %slice3A_75, %broadcast_in_dim3A_74 in 0 : vector<50x128xf32>, vector<14x128xf32> -> vector<64x128xf32>
    %reshape3A = vector.shape_cast %concatenate3A : vector<64x128xf32> to vector<1x64x128xf32>
    %slice3A_76 = vector.extract_strided_slice %add3A_73 {offsets = [50, 0], sizes = [50, 128], strides = [1, 1]} : vector<1600x128xf32> to vector<50x128xf32>
    %concatenate3A_77 = tpu.concatenate %slice3A_76, %broadcast_in_dim3A_74 in 0 : vector<50x128xf32>, vector<14x128xf32> -> vector<64x128xf32>
    %reshape3A_78 = vector.shape_cast %concatenate3A_77 : vector<64x128xf32> to vector<1x64x128xf32>
    %slice3A_79 = vector.extract_strided_slice %add3A_73 {offsets = [100, 0], sizes = [50, 128], strides = [1, 1]} : vector<1600x128xf32> to vector<50x128xf32>
    %concatenate3A_80 = tpu.concatenate %slice3A_79, %broadcast_in_dim3A_74 in 0 : vector<50x128xf32>, vector<14x128xf32> -> vector<64x128xf32>
    %reshape3A_81 = vector.shape_cast %concatenate3A_80 : vector<64x128xf32> to vector<1x64x128xf32>
    %slice3A_82 = vector.extract_strided_slice %add3A_73 {offsets = [150, 0], sizes = [50, 128], strides = [1, 1]} : vector<1600x128xf32> to vector<50x128xf32>
    %concatenate3A_83 = tpu.concatenate %slice3A_82, %broadcast_in_dim3A_74 in 0 : vector<50x128xf32>, vector<14x128xf32> -> vector<64x128xf32>
    %reshape3A_84 = vector.shape_cast %concatenate3A_83 : vector<64x128xf32> to vector<1x64x128xf32>
    %slice3A_85 = vector.extract_strided_slice %add3A_73 {offsets = [200, 0], sizes = [50, 128], strides = [1, 1]} : vector<1600x128xf32> to vector<50x128xf32>
    %concatenate3A_86 = tpu.concatenate %slice3A_85, %broadcast_in_dim3A_74 in 0 : vector<50x128xf32>, vector<14x128xf32> -> vector<64x128xf32>
    %reshape3A_87 = vector.shape_cast %concatenate3A_86 : vector<64x128xf32> to vector<1x64x128xf32>
    %slice3A_88 = vector.extract_strided_slice %add3A_73 {offsets = [250, 0], sizes = [50, 128], strides = [1, 1]} : vector<1600x128xf32> to vector<50x128xf32>
    %concatenate3A_89 = tpu.concatenate %slice3A_88, %broadcast_in_dim3A_74 in 0 : vector<50x128xf32>, vector<14x128xf32> -> vector<64x128xf32>
    %reshape3A_90 = vector.shape_cast %concatenate3A_89 : vector<64x128xf32> to vector<1x64x128xf32>
    %slice3A_91 = vector.extract_strided_slice %add3A_73 {offsets = [300, 0], sizes = [50, 128], strides = [1, 1]} : vector<1600x128xf32> to vector<50x128xf32>
    %concatenate3A_92 = tpu.concatenate %slice3A_91, %broadcast_in_dim3A_74 in 0 : vector<50x128xf32>, vector<14x128xf32> -> vector<64x128xf32>
    %reshape3A_93 = vector.shape_cast %concatenate3A_92 : vector<64x128xf32> to vector<1x64x128xf32>
    %slice3A_94 = vector.extract_strided_slice %add3A_73 {offsets = [350, 0], sizes = [50, 128], strides = [1, 1]} : vector<1600x128xf32> to vector<50x128xf32>
    %concatenate3A_95 = tpu.concatenate %slice3A_94, %broadcast_in_dim3A_74 in 0 : vector<50x128xf32>, vector<14x128xf32> -> vector<64x128xf32>
    %reshape3A_96 = vector.shape_cast %concatenate3A_95 : vector<64x128xf32> to vector<1x64x128xf32>
    %slice3A_97 = vector.extract_strided_slice %add3A_73 {offsets = [400, 0], sizes = [50, 128], strides = [1, 1]} : vector<1600x128xf32> to vector<50x128xf32>
    %concatenate3A_98 = tpu.concatenate %slice3A_97, %broadcast_in_dim3A_74 in 0 : vector<50x128xf32>, vector<14x128xf32> -> vector<64x128xf32>
    %reshape3A_99 = vector.shape_cast %concatenate3A_98 : vector<64x128xf32> to vector<1x64x128xf32>
    %slice3A_100 = vector.extract_strided_slice %add3A_73 {offsets = [450, 0], sizes = [50, 128], strides = [1, 1]} : vector<1600x128xf32> to vector<50x128xf32>
    %concatenate3A_101 = tpu.concatenate %slice3A_100, %broadcast_in_dim3A_74 in 0 : vector<50x128xf32>, vector<14x128xf32> -> vector<64x128xf32>
    %reshape3A_102 = vector.shape_cast %concatenate3A_101 : vector<64x128xf32> to vector<1x64x128xf32>
    %slice3A_103 = vector.extract_strided_slice %add3A_73 {offsets = [500, 0], sizes = [50, 128], strides = [1, 1]} : vector<1600x128xf32> to vector<50x128xf32>
    %concatenate3A_104 = tpu.concatenate %slice3A_103, %broadcast_in_dim3A_74 in 0 : vector<50x128xf32>, vector<14x128xf32> -> vector<64x128xf32>
    %reshape3A_105 = vector.shape_cast %concatenate3A_104 : vector<64x128xf32> to vector<1x64x128xf32>
    %slice3A_106 = vector.extract_strided_slice %add3A_73 {offsets = [550, 0], sizes = [50, 128], strides = [1, 1]} : vector<1600x128xf32> to vector<50x128xf32>
    %concatenate3A_107 = tpu.concatenate %slice3A_106, %broadcast_in_dim3A_74 in 0 : vector<50x128xf32>, vector<14x128xf32> -> vector<64x128xf32>
    %reshape3A_108 = vector.shape_cast %concatenate3A_107 : vector<64x128xf32> to vector<1x64x128xf32>
    %slice3A_109 = vector.extract_strided_slice %add3A_73 {offsets = [600, 0], sizes = [50, 128], strides = [1, 1]} : vector<1600x128xf32> to vector<50x128xf32>
    %concatenate3A_110 = tpu.concatenate %slice3A_109, %broadcast_in_dim3A_74 in 0 : vector<50x128xf32>, vector<14x128xf32> -> vector<64x128xf32>
    %reshape3A_111 = vector.shape_cast %concatenate3A_110 : vector<64x128xf32> to vector<1x64x128xf32>
    %slice3A_112 = vector.extract_strided_slice %add3A_73 {offsets = [650, 0], sizes = [50, 128], strides = [1, 1]} : vector<1600x128xf32> to vector<50x128xf32>
    %concatenate3A_113 = tpu.concatenate %slice3A_112, %broadcast_in_dim3A_74 in 0 : vector<50x128xf32>, vector<14x128xf32> -> vector<64x128xf32>
    %reshape3A_114 = vector.shape_cast %concatenate3A_113 : vector<64x128xf32> to vector<1x64x128xf32>
    %slice3A_115 = vector.extract_strided_slice %add3A_73 {offsets = [700, 0], sizes = [50, 128], strides = [1, 1]} : vector<1600x128xf32> to vector<50x128xf32>
    %concatenate3A_116 = tpu.concatenate %slice3A_115, %broadcast_in_dim3A_74 in 0 : vector<50x128xf32>, vector<14x128xf32> -> vector<64x128xf32>
    %reshape3A_117 = vector.shape_cast %concatenate3A_116 : vector<64x128xf32> to vector<1x64x128xf32>
    %slice3A_118 = vector.extract_strided_slice %add3A_73 {offsets = [750, 0], sizes = [50, 128], strides = [1, 1]} : vector<1600x128xf32> to vector<50x128xf32>
    %concatenate3A_119 = tpu.concatenate %slice3A_118, %broadcast_in_dim3A_74 in 0 : vector<50x128xf32>, vector<14x128xf32> -> vector<64x128xf32>
    %reshape3A_120 = vector.shape_cast %concatenate3A_119 : vector<64x128xf32> to vector<1x64x128xf32>
    %slice3A_121 = vector.extract_strided_slice %add3A_73 {offsets = [800, 0], sizes = [50, 128], strides = [1, 1]} : vector<1600x128xf32> to vector<50x128xf32>
    %concatenate3A_122 = tpu.concatenate %slice3A_121, %broadcast_in_dim3A_74 in 0 : vector<50x128xf32>, vector<14x128xf32> -> vector<64x128xf32>
    %reshape3A_123 = vector.shape_cast %concatenate3A_122 : vector<64x128xf32> to vector<1x64x128xf32>
    %slice3A_124 = vector.extract_strided_slice %add3A_73 {offsets = [850, 0], sizes = [50, 128], strides = [1, 1]} : vector<1600x128xf32> to vector<50x128xf32>
    %concatenate3A_125 = tpu.concatenate %slice3A_124, %broadcast_in_dim3A_74 in 0 : vector<50x128xf32>, vector<14x128xf32> -> vector<64x128xf32>
    %reshape3A_126 = vector.shape_cast %concatenate3A_125 : vector<64x128xf32> to vector<1x64x128xf32>
    %slice3A_127 = vector.extract_strided_slice %add3A_73 {offsets = [900, 0], sizes = [50, 128], strides = [1, 1]} : vector<1600x128xf32> to vector<50x128xf32>
    %concatenate3A_128 = tpu.concatenate %slice3A_127, %broadcast_in_dim3A_74 in 0 : vector<50x128xf32>, vector<14x128xf32> -> vector<64x128xf32>
    %reshape3A_129 = vector.shape_cast %concatenate3A_128 : vector<64x128xf32> to vector<1x64x128xf32>
    %slice3A_130 = vector.extract_strided_slice %add3A_73 {offsets = [950, 0], sizes = [50, 128], strides = [1, 1]} : vector<1600x128xf32> to vector<50x128xf32>
    %concatenate3A_131 = tpu.concatenate %slice3A_130, %broadcast_in_dim3A_74 in 0 : vector<50x128xf32>, vector<14x128xf32> -> vector<64x128xf32>
    %reshape3A_132 = vector.shape_cast %concatenate3A_131 : vector<64x128xf32> to vector<1x64x128xf32>
    %slice3A_133 = vector.extract_strided_slice %add3A_73 {offsets = [1000, 0], sizes = [50, 128], strides = [1, 1]} : vector<1600x128xf32> to vector<50x128xf32>
    %concatenate3A_134 = tpu.concatenate %slice3A_133, %broadcast_in_dim3A_74 in 0 : vector<50x128xf32>, vector<14x128xf32> -> vector<64x128xf32>
    %reshape3A_135 = vector.shape_cast %concatenate3A_134 : vector<64x128xf32> to vector<1x64x128xf32>
    %slice3A_136 = vector.extract_strided_slice %add3A_73 {offsets = [1050, 0], sizes = [50, 128], strides = [1, 1]} : vector<1600x128xf32> to vector<50x128xf32>
    %concatenate3A_137 = tpu.concatenate %slice3A_136, %broadcast_in_dim3A_74 in 0 : vector<50x128xf32>, vector<14x128xf32> -> vector<64x128xf32>
    %reshape3A_138 = vector.shape_cast %concatenate3A_137 : vector<64x128xf32> to vector<1x64x128xf32>
    %slice3A_139 = vector.extract_strided_slice %add3A_73 {offsets = [1100, 0], sizes = [50, 128], strides = [1, 1]} : vector<1600x128xf32> to vector<50x128xf32>
    %concatenate3A_140 = tpu.concatenate %slice3A_139, %broadcast_in_dim3A_74 in 0 : vector<50x128xf32>, vector<14x128xf32> -> vector<64x128xf32>
    %reshape3A_141 = vector.shape_cast %concatenate3A_140 : vector<64x128xf32> to vector<1x64x128xf32>
    %slice3A_142 = vector.extract_strided_slice %add3A_73 {offsets = [1150, 0], sizes = [50, 128], strides = [1, 1]} : vector<1600x128xf32> to vector<50x128xf32>
    %concatenate3A_143 = tpu.concatenate %slice3A_142, %broadcast_in_dim3A_74 in 0 : vector<50x128xf32>, vector<14x128xf32> -> vector<64x128xf32>
    %reshape3A_144 = vector.shape_cast %concatenate3A_143 : vector<64x128xf32> to vector<1x64x128xf32>
    %slice3A_145 = vector.extract_strided_slice %add3A_73 {offsets = [1200, 0], sizes = [50, 128], strides = [1, 1]} : vector<1600x128xf32> to vector<50x128xf32>
    %concatenate3A_146 = tpu.concatenate %slice3A_145, %broadcast_in_dim3A_74 in 0 : vector<50x128xf32>, vector<14x128xf32> -> vector<64x128xf32>
    %reshape3A_147 = vector.shape_cast %concatenate3A_146 : vector<64x128xf32> to vector<1x64x128xf32>
    %slice3A_148 = vector.extract_strided_slice %add3A_73 {offsets = [1250, 0], sizes = [50, 128], strides = [1, 1]} : vector<1600x128xf32> to vector<50x128xf32>
    %concatenate3A_149 = tpu.concatenate %slice3A_148, %broadcast_in_dim3A_74 in 0 : vector<50x128xf32>, vector<14x128xf32> -> vector<64x128xf32>
    %reshape3A_150 = vector.shape_cast %concatenate3A_149 : vector<64x128xf32> to vector<1x64x128xf32>
    %slice3A_151 = vector.extract_strided_slice %add3A_73 {offsets = [1300, 0], sizes = [50, 128], strides = [1, 1]} : vector<1600x128xf32> to vector<50x128xf32>
    %concatenate3A_152 = tpu.concatenate %slice3A_151, %broadcast_in_dim3A_74 in 0 : vector<50x128xf32>, vector<14x128xf32> -> vector<64x128xf32>
    %reshape3A_153 = vector.shape_cast %concatenate3A_152 : vector<64x128xf32> to vector<1x64x128xf32>
    %slice3A_154 = vector.extract_strided_slice %add3A_73 {offsets = [1350, 0], sizes = [50, 128], strides = [1, 1]} : vector<1600x128xf32> to vector<50x128xf32>
    %concatenate3A_155 = tpu.concatenate %slice3A_154, %broadcast_in_dim3A_74 in 0 : vector<50x128xf32>, vector<14x128xf32> -> vector<64x128xf32>
    %reshape3A_156 = vector.shape_cast %concatenate3A_155 : vector<64x128xf32> to vector<1x64x128xf32>
    %slice3A_157 = vector.extract_strided_slice %add3A_73 {offsets = [1400, 0], sizes = [50, 128], strides = [1, 1]} : vector<1600x128xf32> to vector<50x128xf32>
    %concatenate3A_158 = tpu.concatenate %slice3A_157, %broadcast_in_dim3A_74 in 0 : vector<50x128xf32>, vector<14x128xf32> -> vector<64x128xf32>
    %reshape3A_159 = vector.shape_cast %concatenate3A_158 : vector<64x128xf32> to vector<1x64x128xf32>
    %slice3A_160 = vector.extract_strided_slice %add3A_73 {offsets = [1450, 0], sizes = [50, 128], strides = [1, 1]} : vector<1600x128xf32> to vector<50x128xf32>
    %concatenate3A_161 = tpu.concatenate %slice3A_160, %broadcast_in_dim3A_74 in 0 : vector<50x128xf32>, vector<14x128xf32> -> vector<64x128xf32>
    %reshape3A_162 = vector.shape_cast %concatenate3A_161 : vector<64x128xf32> to vector<1x64x128xf32>
    %slice3A_163 = vector.extract_strided_slice %add3A_73 {offsets = [1500, 0], sizes = [50, 128], strides = [1, 1]} : vector<1600x128xf32> to vector<50x128xf32>
    %concatenate3A_164 = tpu.concatenate %slice3A_163, %broadcast_in_dim3A_74 in 0 : vector<50x128xf32>, vector<14x128xf32> -> vector<64x128xf32>
    %reshape3A_165 = vector.shape_cast %concatenate3A_164 : vector<64x128xf32> to vector<1x64x128xf32>
    %slice3A_166 = vector.extract_strided_slice %add3A_73 {offsets = [1550, 0], sizes = [50, 128], strides = [1, 1]} : vector<1600x128xf32> to vector<50x128xf32>
    %concatenate3A_167 = tpu.concatenate %slice3A_166, %broadcast_in_dim3A_74 in 0 : vector<50x128xf32>, vector<14x128xf32> -> vector<64x128xf32>
    %reshape3A_168 = vector.shape_cast %concatenate3A_167 : vector<64x128xf32> to vector<1x64x128xf32>
    %concatenate3A_169 = tpu.concatenate %reshape3A, %reshape3A_78, %reshape3A_81, %reshape3A_84, %reshape3A_87, %reshape3A_90, %reshape3A_93, %reshape3A_96, %reshape3A_99, %reshape3A_102, %reshape3A_105, %reshape3A_108, %reshape3A_111, %reshape3A_114, %reshape3A_117, %reshape3A_120, %reshape3A_123, %reshape3A_126, %reshape3A_129, %reshape3A_132, %reshape3A_135, %reshape3A_138, %reshape3A_141, %reshape3A_144, %reshape3A_147, %reshape3A_150, %reshape3A_153, %reshape3A_156, %reshape3A_159, %reshape3A_162, %reshape3A_165, %reshape3A_168 in 0 : vector<1x64x128xf32>, vector<1x64x128xf32>, vector<1x64x128xf32>, vector<1x64x128xf32>, vector<1x64x128xf32>, vector<1x64x128xf32>, vector<1x64x128xf32>, vector<1x64x128xf32>, vector<1x64x128xf32>, vector<1x64x128xf32>, vector<1x64x128xf32>, vector<1x64x128xf32>, vector<1x64x128xf32>, vector<1x64x128xf32>, vector<1x64x128xf32>, vector<1x64x128xf32>, vector<1x64x128xf32>, vector<1x64x128xf32>, vector<1x64x128xf32>, vector<1x64x128xf32>, vector<1x64x128xf32>, vector<1x64x128xf32>, vector<1x64x128xf32>, vector<1x64x128xf32>, vector<1x64x128xf32>, vector<1x64x128xf32>, vector<1x64x128xf32>, vector<1x64x128xf32>, vector<1x64x128xf32>, vector<1x64x128xf32>, vector<1x64x128xf32>, vector<1x64x128xf32> -> vector<32x64x128xf32>
    %iota3A = tpu.iota {dimensions = array<i32: 2>} : vector<1x1x64xi32>
    %lt3A = arith.constant 50 : i32
    %lt3A_170 = vector.broadcast %lt3A : i32 to vector<1x1x64xi32>
    %lt3A_171 = arith.cmpi slt, %iota3A, %lt3A_170 : vector<1x1x64xi32>
    %jit3A = arith.constant 0.000000e+00 : f32
    %jit3A_172 = arith.constant -1.000000e+09 : f32
    %broadcast_in_dim3A_173 = vector.broadcast %jit3A : f32 to vector<1x1x64xf32>
    %broadcast_in_dim3A_174 = vector.broadcast %jit3A_172 : f32 to vector<1x1x64xf32>
    %select_n3A = arith.select %lt3A_171, %broadcast_in_dim3A_173, %broadcast_in_dim3A_174 : vector<1x1x64xi1>, vector<1x1x64xf32>
    %get3A_175 = arith.constant 0 : index
    %get3A_176 = arith.constant 0 : index
    %get3A_177 = vector.load %arg11[%get3A_175, %get3A_176] : memref<128x128xf32, #tpu.memory_space<vmem>>, vector<128x128xf32>
    %get3A_178 = arith.constant 0 : index
    %get3A_179 = arith.constant 0 : index
    %get3A_180 = vector.load %arg12[%get3A_178, %get3A_179] : memref<128x8xf32, #tpu.memory_space<vmem>>, vector<128x8xf32>
    %dot_general3A_181 = arith.constant dense<0.000000e+00> : vector<32x64x128xf32>
    %dot_general3A_182 = tpu.matmul %concatenate3A_169, %get3A_177, %dot_general3A_181 {dimension_numbers = #tpu.dot_dimension_numbers<[2], [0], [0, 1], [1], [0, 0, 0, 1, 1, 1], [], []>, transpose_lhs_hint = false} : vector<32x64x128xf32>, vector<128x128xf32>, vector<32x64x128xf32> -> vector<32x64x128xf32>
    %dot_general3A_183 = arith.constant dense<0.000000e+00> : vector<32x64x8xf32>
    %dot_general3A_184 = tpu.matmul %concatenate3A_169, %get3A_180, %dot_general3A_183 {dimension_numbers = #tpu.dot_dimension_numbers<[2], [0], [0, 1], [1], [0, 0, 0, 1, 1, 1], [], []>, transpose_lhs_hint = false} : vector<32x64x128xf32>, vector<128x8xf32>, vector<32x64x8xf32> -> vector<32x64x8xf32>
    %slice3A_185 = vector.extract_strided_slice %dot_general3A_184 {offsets = [0, 0, 0], sizes = [32, 64, 1], strides = [1, 1, 1]} : vector<32x64x8xf32> to vector<32x64x1xf32>
    %slice3A_186 = vector.extract_strided_slice %dot_general3A_184 {offsets = [0, 0, 1], sizes = [32, 64, 1], strides = [1, 1, 1]} : vector<32x64x8xf32> to vector<32x64x1xf32>
    %slice3A_187 = vector.extract_strided_slice %dot_general3A_184 {offsets = [0, 0, 2], sizes = [32, 64, 1], strides = [1, 1, 1]} : vector<32x64x8xf32> to vector<32x64x1xf32>
    %slice3A_188 = vector.extract_strided_slice %dot_general3A_184 {offsets = [0, 0, 3], sizes = [32, 64, 1], strides = [1, 1, 1]} : vector<32x64x8xf32> to vector<32x64x1xf32>
    %concatenate3A_189 = tpu.concatenate %slice3A_185, %slice3A_186, %slice3A_187, %slice3A_188 in 0 : vector<32x64x1xf32>, vector<32x64x1xf32>, vector<32x64x1xf32>, vector<32x64x1xf32> -> vector<128x64x1xf32>
    %slice3A_190 = vector.extract_strided_slice %dot_general3A_184 {offsets = [0, 0, 4], sizes = [32, 64, 1], strides = [1, 1, 1]} : vector<32x64x8xf32> to vector<32x64x1xf32>
    %slice3A_191 = vector.extract_strided_slice %dot_general3A_184 {offsets = [0, 0, 5], sizes = [32, 64, 1], strides = [1, 1, 1]} : vector<32x64x8xf32> to vector<32x64x1xf32>
    %slice3A_192 = vector.extract_strided_slice %dot_general3A_184 {offsets = [0, 0, 6], sizes = [32, 64, 1], strides = [1, 1, 1]} : vector<32x64x8xf32> to vector<32x64x1xf32>
    %slice3A_193 = vector.extract_strided_slice %dot_general3A_184 {offsets = [0, 0, 7], sizes = [32, 64, 1], strides = [1, 1, 1]} : vector<32x64x8xf32> to vector<32x64x1xf32>
    %concatenate3A_194 = tpu.concatenate %slice3A_190, %slice3A_191, %slice3A_192, %slice3A_193 in 0 : vector<32x64x1xf32>, vector<32x64x1xf32>, vector<32x64x1xf32>, vector<32x64x1xf32> -> vector<128x64x1xf32>
    %slice3A_195 = vector.extract_strided_slice %dot_general3A_182 {offsets = [0, 0, 0], sizes = [32, 64, 32], strides = [1, 1, 1]} : vector<32x64x128xf32> to vector<32x64x32xf32>
    %slice3A_196 = vector.extract_strided_slice %dot_general3A_182 {offsets = [0, 0, 32], sizes = [32, 64, 32], strides = [1, 1, 1]} : vector<32x64x128xf32> to vector<32x64x32xf32>
    %slice3A_197 = vector.extract_strided_slice %dot_general3A_182 {offsets = [0, 0, 64], sizes = [32, 64, 32], strides = [1, 1, 1]} : vector<32x64x128xf32> to vector<32x64x32xf32>
    %slice3A_198 = vector.extract_strided_slice %dot_general3A_182 {offsets = [0, 0, 96], sizes = [32, 64, 32], strides = [1, 1, 1]} : vector<32x64x128xf32> to vector<32x64x32xf32>
    %concatenate3A_199 = tpu.concatenate %slice3A_195, %slice3A_196, %slice3A_197, %slice3A_198 in 0 : vector<32x64x32xf32>, vector<32x64x32xf32>, vector<32x64x32xf32>, vector<32x64x32xf32> -> vector<128x64x32xf32>
    %transpose3A = tpu.transpose %concatenate3A_194, [0, 2, 1] : vector<128x64x1xf32> -> vector<128x1x64xf32>
    %reduce_max3A = arith.constant dense<0xFF800000> : vector<128x1xf32>
    %reduce_max3A_200 = vector.multi_reduction <maximumf>, %transpose3A, %reduce_max3A [2] : vector<128x1x64xf32> to vector<128x1xf32>
    %broadcast_in_dim3A_201 = vector.shape_cast %reduce_max3A_200 : vector<128x1xf32> to vector<128x1x1xf32>
    %add3A_202 = vector.broadcast %broadcast_in_dim3A_201 : vector<128x1x1xf32> to vector<128x64x1xf32>
    %add3A_203 = arith.addf %concatenate3A_189, %add3A_202 : vector<128x64x1xf32>
    %mul3A_204 = arith.constant 2.000000e-01 : f32
    %mul3A_205 = vector.broadcast %mul3A_204 : f32 to vector<128x64x1xf32>
    %mul3A_206 = arith.mulf %mul3A_205, %add3A_203 : vector<128x64x1xf32>
    %max3A = arith.maximumf %add3A_203, %mul3A_206 : vector<128x64x1xf32>
    %add3A_207 = vector.broadcast %concatenate3A_189 : vector<128x64x1xf32> to vector<128x64x64xf32>
    %add3A_208 = vector.broadcast %transpose3A : vector<128x1x64xf32> to vector<128x64x64xf32>
    %add3A_209 = arith.addf %add3A_207, %add3A_208 : vector<128x64x64xf32>
    %mul3A_210 = arith.constant 2.000000e-01 : f32
    %mul3A_211 = vector.broadcast %mul3A_210 : f32 to vector<128x64x64xf32>
    %mul3A_212 = arith.mulf %mul3A_211, %add3A_209 : vector<128x64x64xf32>
    %max3A_213 = arith.maximumf %add3A_209, %mul3A_212 : vector<128x64x64xf32>
    %sub3A = vector.broadcast %select_n3A : vector<1x1x64xf32> to vector<128x64x64xf32>
    %sub3A_214 = vector.broadcast %max3A : vector<128x64x1xf32> to vector<128x64x64xf32>
    %sub3A_215 = arith.subf %sub3A, %sub3A_214 : vector<128x64x64xf32>
    %add3A_216 = arith.addf %max3A_213, %sub3A_215 : vector<128x64x64xf32>
    %exp3A = math.exp %add3A_216 : vector<128x64x64xf32>
    %dot_general3A_217 = arith.constant dense<0.000000e+00> : vector<128x64x32xf32>
    %dot_general3A_218 = tpu.matmul %exp3A, %concatenate3A_199, %dot_general3A_217 {dimension_numbers = #tpu.dot_dimension_numbers<[2], [1], [1], [2], [0, 0, 0, 1, 1, 2], [0], [0]>, transpose_lhs_hint = false} : vector<128x64x64xf32>, vector<128x64x32xf32>, vector<128x64x32xf32> -> vector<128x64x32xf32>
    %reduce_sum3A = arith.constant dense<0.000000e+00> : vector<128x64xf32>
    %reduce_sum3A_219 = vector.multi_reduction <add>, %exp3A, %reduce_sum3A [2] : vector<128x64x64xf32> to vector<128x64xf32>
    %broadcast_in_dim3A_220 = vector.shape_cast %reduce_sum3A_219 : vector<128x64xf32> to vector<128x64x1xf32>
    %div3A = vector.broadcast %broadcast_in_dim3A_220 : vector<128x64x1xf32> to vector<128x64x32xf32>
    %div3A_221 = arith.divf %dot_general3A_218, %div3A : vector<128x64x32xf32>
    %slice3A_222 = vector.extract_strided_slice %div3A_221 {offsets = [0, 0, 0], sizes = [32, 64, 32], strides = [1, 1, 1]} : vector<128x64x32xf32> to vector<32x64x32xf32>
    %slice3A_223 = vector.extract_strided_slice %div3A_221 {offsets = [32, 0, 0], sizes = [32, 64, 32], strides = [1, 1, 1]} : vector<128x64x32xf32> to vector<32x64x32xf32>
    %slice3A_224 = vector.extract_strided_slice %div3A_221 {offsets = [64, 0, 0], sizes = [32, 64, 32], strides = [1, 1, 1]} : vector<128x64x32xf32> to vector<32x64x32xf32>
    %slice3A_225 = vector.extract_strided_slice %div3A_221 {offsets = [96, 0, 0], sizes = [32, 64, 32], strides = [1, 1, 1]} : vector<128x64x32xf32> to vector<32x64x32xf32>
    %concatenate3A_226 = tpu.concatenate %slice3A_222, %slice3A_223, %slice3A_224, %slice3A_225 in 2 : vector<32x64x32xf32>, vector<32x64x32xf32>, vector<32x64x32xf32>, vector<32x64x32xf32> -> vector<32x64x128xf32>
    %gt3A = arith.constant 0.000000e+00 : f32
    %gt3A_227 = vector.broadcast %gt3A : f32 to vector<32x64x128xf32>
    %gt3A_228 = arith.cmpf ogt, %concatenate3A_226, %gt3A_227 : vector<32x64x128xf32>
    %min3A = arith.constant 0.000000e+00 : f32
    %min3A_229 = vector.broadcast %min3A : f32 to vector<32x64x128xf32>
    %min3A_230 = arith.minimumf %concatenate3A_226, %min3A_229 : vector<32x64x128xf32>
    %exp3A_231 = math.exp %min3A_230 : vector<32x64x128xf32>
    %sub3A_232 = arith.constant 1.000000e+00 : f32
    %sub3A_233 = vector.broadcast %sub3A_232 : f32 to vector<32x64x128xf32>
    %sub3A_234 = arith.subf %exp3A_231, %sub3A_233 : vector<32x64x128xf32>
    %select_n3A_235 = arith.select %gt3A_228, %concatenate3A_226, %sub3A_234 : vector<32x64x128xi1>, vector<32x64x128xf32>
    %get3A_236 = arith.constant 0 : index
    %get3A_237 = arith.constant 0 : index
    %get3A_238 = vector.load %arg13[%get3A_236, %get3A_237] : memref<128x128xf32, #tpu.memory_space<vmem>>, vector<128x128xf32>
    %get3A_239 = arith.constant 0 : index
    %get3A_240 = arith.constant 0 : index
    %get3A_241 = vector.load %arg14[%get3A_239, %get3A_240] : memref<128x2xf32, #tpu.memory_space<vmem>>, vector<128x2xf32>
    %dot_general3A_242 = arith.constant dense<0.000000e+00> : vector<32x64x128xf32>
    %dot_general3A_243 = tpu.matmul %select_n3A_235, %get3A_238, %dot_general3A_242 {dimension_numbers = #tpu.dot_dimension_numbers<[2], [0], [0, 1], [1], [0, 0, 0, 1, 1, 1], [], []>, transpose_lhs_hint = false} : vector<32x64x128xf32>, vector<128x128xf32>, vector<32x64x128xf32> -> vector<32x64x128xf32>
    %dot_general3A_244 = arith.constant dense<0.000000e+00> : vector<32x64x2xf32>
    %dot_general3A_245 = tpu.matmul %select_n3A_235, %get3A_241, %dot_general3A_244 {dimension_numbers = #tpu.dot_dimension_numbers<[2], [0], [0, 1], [1], [0, 0, 0, 1, 1, 1], [], []>, transpose_lhs_hint = false} : vector<32x64x128xf32>, vector<128x2xf32>, vector<32x64x2xf32> -> vector<32x64x2xf32>
    %slice3A_246 = vector.extract_strided_slice %dot_general3A_245 {offsets = [0, 0, 0], sizes = [32, 64, 1], strides = [1, 1, 1]} : vector<32x64x2xf32> to vector<32x64x1xf32>
    %slice3A_247 = vector.extract_strided_slice %dot_general3A_245 {offsets = [0, 0, 1], sizes = [32, 64, 1], strides = [1, 1, 1]} : vector<32x64x2xf32> to vector<32x64x1xf32>
    %transpose3A_248 = tpu.transpose %slice3A_247, [0, 2, 1] : vector<32x64x1xf32> -> vector<32x1x64xf32>
    %reduce_max3A_249 = arith.constant dense<0xFF800000> : vector<32x1xf32>
    %reduce_max3A_250 = vector.multi_reduction <maximumf>, %transpose3A_248, %reduce_max3A_249 [2] : vector<32x1x64xf32> to vector<32x1xf32>
    %broadcast_in_dim3A_251 = vector.shape_cast %reduce_max3A_250 : vector<32x1xf32> to vector<32x1x1xf32>
    %add3A_252 = vector.broadcast %broadcast_in_dim3A_251 : vector<32x1x1xf32> to vector<32x64x1xf32>
    %add3A_253 = arith.addf %slice3A_246, %add3A_252 : vector<32x64x1xf32>
    %mul3A_254 = arith.constant 2.000000e-01 : f32
    %mul3A_255 = vector.broadcast %mul3A_254 : f32 to vector<32x64x1xf32>
    %mul3A_256 = arith.mulf %mul3A_255, %add3A_253 : vector<32x64x1xf32>
    %max3A_257 = arith.maximumf %add3A_253, %mul3A_256 : vector<32x64x1xf32>
    %add3A_258 = vector.broadcast %slice3A_246 : vector<32x64x1xf32> to vector<32x64x64xf32>
    %add3A_259 = vector.broadcast %transpose3A_248 : vector<32x1x64xf32> to vector<32x64x64xf32>
    %add3A_260 = arith.addf %add3A_258, %add3A_259 : vector<32x64x64xf32>
    %mul3A_261 = arith.constant 2.000000e-01 : f32
    %mul3A_262 = vector.broadcast %mul3A_261 : f32 to vector<32x64x64xf32>
    %mul3A_263 = arith.mulf %mul3A_262, %add3A_260 : vector<32x64x64xf32>
    %max3A_264 = arith.maximumf %add3A_260, %mul3A_263 : vector<32x64x64xf32>
    %sub3A_265 = vector.broadcast %select_n3A : vector<1x1x64xf32> to vector<32x64x64xf32>
    %sub3A_266 = vector.broadcast %max3A_257 : vector<32x64x1xf32> to vector<32x64x64xf32>
    %sub3A_267 = arith.subf %sub3A_265, %sub3A_266 : vector<32x64x64xf32>
    %add3A_268 = arith.addf %max3A_264, %sub3A_267 : vector<32x64x64xf32>
    %exp3A_269 = math.exp %add3A_268 : vector<32x64x64xf32>
    %dot_general3A_270 = arith.constant dense<0.000000e+00> : vector<32x64x128xf32>
    %dot_general3A_271 = tpu.matmul %exp3A_269, %dot_general3A_243, %dot_general3A_270 {dimension_numbers = #tpu.dot_dimension_numbers<[2], [1], [1], [2], [0, 0, 0, 1, 1, 2], [0], [0]>, transpose_lhs_hint = false} : vector<32x64x64xf32>, vector<32x64x128xf32>, vector<32x64x128xf32> -> vector<32x64x128xf32>
    %reduce_sum3A_272 = arith.constant dense<0.000000e+00> : vector<32x64xf32>
    %reduce_sum3A_273 = vector.multi_reduction <add>, %exp3A_269, %reduce_sum3A_272 [2] : vector<32x64x64xf32> to vector<32x64xf32>
    %broadcast_in_dim3A_274 = vector.shape_cast %reduce_sum3A_273 : vector<32x64xf32> to vector<32x64x1xf32>
    %div3A_275 = vector.broadcast %broadcast_in_dim3A_274 : vector<32x64x1xf32> to vector<32x64x128xf32>
    %div3A_276 = arith.divf %dot_general3A_271, %div3A_275 : vector<32x64x128xf32>
    %slice3A_277 = vector.extract_strided_slice %div3A_276 {offsets = [0, 0, 0], sizes = [1, 50, 128], strides = [1, 1, 1]} : vector<32x64x128xf32> to vector<1x50x128xf32>
    %squeeze3A = vector.shape_cast %slice3A_277 : vector<1x50x128xf32> to vector<50x128xf32>
    %slice3A_278 = vector.extract_strided_slice %div3A_276 {offsets = [1, 0, 0], sizes = [1, 50, 128], strides = [1, 1, 1]} : vector<32x64x128xf32> to vector<1x50x128xf32>
    %squeeze3A_279 = vector.shape_cast %slice3A_278 : vector<1x50x128xf32> to vector<50x128xf32>
    %slice3A_280 = vector.extract_strided_slice %div3A_276 {offsets = [2, 0, 0], sizes = [1, 50, 128], strides = [1, 1, 1]} : vector<32x64x128xf32> to vector<1x50x128xf32>
    %squeeze3A_281 = vector.shape_cast %slice3A_280 : vector<1x50x128xf32> to vector<50x128xf32>
    %slice3A_282 = vector.extract_strided_slice %div3A_276 {offsets = [3, 0, 0], sizes = [1, 50, 128], strides = [1, 1, 1]} : vector<32x64x128xf32> to vector<1x50x128xf32>
    %squeeze3A_283 = vector.shape_cast %slice3A_282 : vector<1x50x128xf32> to vector<50x128xf32>
    %slice3A_284 = vector.extract_strided_slice %div3A_276 {offsets = [4, 0, 0], sizes = [1, 50, 128], strides = [1, 1, 1]} : vector<32x64x128xf32> to vector<1x50x128xf32>
    %squeeze3A_285 = vector.shape_cast %slice3A_284 : vector<1x50x128xf32> to vector<50x128xf32>
    %slice3A_286 = vector.extract_strided_slice %div3A_276 {offsets = [5, 0, 0], sizes = [1, 50, 128], strides = [1, 1, 1]} : vector<32x64x128xf32> to vector<1x50x128xf32>
    %squeeze3A_287 = vector.shape_cast %slice3A_286 : vector<1x50x128xf32> to vector<50x128xf32>
    %slice3A_288 = vector.extract_strided_slice %div3A_276 {offsets = [6, 0, 0], sizes = [1, 50, 128], strides = [1, 1, 1]} : vector<32x64x128xf32> to vector<1x50x128xf32>
    %squeeze3A_289 = vector.shape_cast %slice3A_288 : vector<1x50x128xf32> to vector<50x128xf32>
    %slice3A_290 = vector.extract_strided_slice %div3A_276 {offsets = [7, 0, 0], sizes = [1, 50, 128], strides = [1, 1, 1]} : vector<32x64x128xf32> to vector<1x50x128xf32>
    %squeeze3A_291 = vector.shape_cast %slice3A_290 : vector<1x50x128xf32> to vector<50x128xf32>
    %slice3A_292 = vector.extract_strided_slice %div3A_276 {offsets = [8, 0, 0], sizes = [1, 50, 128], strides = [1, 1, 1]} : vector<32x64x128xf32> to vector<1x50x128xf32>
    %squeeze3A_293 = vector.shape_cast %slice3A_292 : vector<1x50x128xf32> to vector<50x128xf32>
    %slice3A_294 = vector.extract_strided_slice %div3A_276 {offsets = [9, 0, 0], sizes = [1, 50, 128], strides = [1, 1, 1]} : vector<32x64x128xf32> to vector<1x50x128xf32>
    %squeeze3A_295 = vector.shape_cast %slice3A_294 : vector<1x50x128xf32> to vector<50x128xf32>
    %slice3A_296 = vector.extract_strided_slice %div3A_276 {offsets = [10, 0, 0], sizes = [1, 50, 128], strides = [1, 1, 1]} : vector<32x64x128xf32> to vector<1x50x128xf32>
    %squeeze3A_297 = vector.shape_cast %slice3A_296 : vector<1x50x128xf32> to vector<50x128xf32>
    %slice3A_298 = vector.extract_strided_slice %div3A_276 {offsets = [11, 0, 0], sizes = [1, 50, 128], strides = [1, 1, 1]} : vector<32x64x128xf32> to vector<1x50x128xf32>
    %squeeze3A_299 = vector.shape_cast %slice3A_298 : vector<1x50x128xf32> to vector<50x128xf32>
    %slice3A_300 = vector.extract_strided_slice %div3A_276 {offsets = [12, 0, 0], sizes = [1, 50, 128], strides = [1, 1, 1]} : vector<32x64x128xf32> to vector<1x50x128xf32>
    %squeeze3A_301 = vector.shape_cast %slice3A_300 : vector<1x50x128xf32> to vector<50x128xf32>
    %slice3A_302 = vector.extract_strided_slice %div3A_276 {offsets = [13, 0, 0], sizes = [1, 50, 128], strides = [1, 1, 1]} : vector<32x64x128xf32> to vector<1x50x128xf32>
    %squeeze3A_303 = vector.shape_cast %slice3A_302 : vector<1x50x128xf32> to vector<50x128xf32>
    %slice3A_304 = vector.extract_strided_slice %div3A_276 {offsets = [14, 0, 0], sizes = [1, 50, 128], strides = [1, 1, 1]} : vector<32x64x128xf32> to vector<1x50x128xf32>
    %squeeze3A_305 = vector.shape_cast %slice3A_304 : vector<1x50x128xf32> to vector<50x128xf32>
    %slice3A_306 = vector.extract_strided_slice %div3A_276 {offsets = [15, 0, 0], sizes = [1, 50, 128], strides = [1, 1, 1]} : vector<32x64x128xf32> to vector<1x50x128xf32>
    %squeeze3A_307 = vector.shape_cast %slice3A_306 : vector<1x50x128xf32> to vector<50x128xf32>
    %slice3A_308 = vector.extract_strided_slice %div3A_276 {offsets = [16, 0, 0], sizes = [1, 50, 128], strides = [1, 1, 1]} : vector<32x64x128xf32> to vector<1x50x128xf32>
    %squeeze3A_309 = vector.shape_cast %slice3A_308 : vector<1x50x128xf32> to vector<50x128xf32>
    %slice3A_310 = vector.extract_strided_slice %div3A_276 {offsets = [17, 0, 0], sizes = [1, 50, 128], strides = [1, 1, 1]} : vector<32x64x128xf32> to vector<1x50x128xf32>
    %squeeze3A_311 = vector.shape_cast %slice3A_310 : vector<1x50x128xf32> to vector<50x128xf32>
    %slice3A_312 = vector.extract_strided_slice %div3A_276 {offsets = [18, 0, 0], sizes = [1, 50, 128], strides = [1, 1, 1]} : vector<32x64x128xf32> to vector<1x50x128xf32>
    %squeeze3A_313 = vector.shape_cast %slice3A_312 : vector<1x50x128xf32> to vector<50x128xf32>
    %slice3A_314 = vector.extract_strided_slice %div3A_276 {offsets = [19, 0, 0], sizes = [1, 50, 128], strides = [1, 1, 1]} : vector<32x64x128xf32> to vector<1x50x128xf32>
    %squeeze3A_315 = vector.shape_cast %slice3A_314 : vector<1x50x128xf32> to vector<50x128xf32>
    %slice3A_316 = vector.extract_strided_slice %div3A_276 {offsets = [20, 0, 0], sizes = [1, 50, 128], strides = [1, 1, 1]} : vector<32x64x128xf32> to vector<1x50x128xf32>
    %squeeze3A_317 = vector.shape_cast %slice3A_316 : vector<1x50x128xf32> to vector<50x128xf32>
    %slice3A_318 = vector.extract_strided_slice %div3A_276 {offsets = [21, 0, 0], sizes = [1, 50, 128], strides = [1, 1, 1]} : vector<32x64x128xf32> to vector<1x50x128xf32>
    %squeeze3A_319 = vector.shape_cast %slice3A_318 : vector<1x50x128xf32> to vector<50x128xf32>
    %slice3A_320 = vector.extract_strided_slice %div3A_276 {offsets = [22, 0, 0], sizes = [1, 50, 128], strides = [1, 1, 1]} : vector<32x64x128xf32> to vector<1x50x128xf32>
    %squeeze3A_321 = vector.shape_cast %slice3A_320 : vector<1x50x128xf32> to vector<50x128xf32>
    %slice3A_322 = vector.extract_strided_slice %div3A_276 {offsets = [23, 0, 0], sizes = [1, 50, 128], strides = [1, 1, 1]} : vector<32x64x128xf32> to vector<1x50x128xf32>
    %squeeze3A_323 = vector.shape_cast %slice3A_322 : vector<1x50x128xf32> to vector<50x128xf32>
    %slice3A_324 = vector.extract_strided_slice %div3A_276 {offsets = [24, 0, 0], sizes = [1, 50, 128], strides = [1, 1, 1]} : vector<32x64x128xf32> to vector<1x50x128xf32>
    %squeeze3A_325 = vector.shape_cast %slice3A_324 : vector<1x50x128xf32> to vector<50x128xf32>
    %slice3A_326 = vector.extract_strided_slice %div3A_276 {offsets = [25, 0, 0], sizes = [1, 50, 128], strides = [1, 1, 1]} : vector<32x64x128xf32> to vector<1x50x128xf32>
    %squeeze3A_327 = vector.shape_cast %slice3A_326 : vector<1x50x128xf32> to vector<50x128xf32>
    %slice3A_328 = vector.extract_strided_slice %div3A_276 {offsets = [26, 0, 0], sizes = [1, 50, 128], strides = [1, 1, 1]} : vector<32x64x128xf32> to vector<1x50x128xf32>
    %squeeze3A_329 = vector.shape_cast %slice3A_328 : vector<1x50x128xf32> to vector<50x128xf32>
    %slice3A_330 = vector.extract_strided_slice %div3A_276 {offsets = [27, 0, 0], sizes = [1, 50, 128], strides = [1, 1, 1]} : vector<32x64x128xf32> to vector<1x50x128xf32>
    %squeeze3A_331 = vector.shape_cast %slice3A_330 : vector<1x50x128xf32> to vector<50x128xf32>
    %slice3A_332 = vector.extract_strided_slice %div3A_276 {offsets = [28, 0, 0], sizes = [1, 50, 128], strides = [1, 1, 1]} : vector<32x64x128xf32> to vector<1x50x128xf32>
    %squeeze3A_333 = vector.shape_cast %slice3A_332 : vector<1x50x128xf32> to vector<50x128xf32>
    %slice3A_334 = vector.extract_strided_slice %div3A_276 {offsets = [29, 0, 0], sizes = [1, 50, 128], strides = [1, 1, 1]} : vector<32x64x128xf32> to vector<1x50x128xf32>
    %squeeze3A_335 = vector.shape_cast %slice3A_334 : vector<1x50x128xf32> to vector<50x128xf32>
    %slice3A_336 = vector.extract_strided_slice %div3A_276 {offsets = [30, 0, 0], sizes = [1, 50, 128], strides = [1, 1, 1]} : vector<32x64x128xf32> to vector<1x50x128xf32>
    %squeeze3A_337 = vector.shape_cast %slice3A_336 : vector<1x50x128xf32> to vector<50x128xf32>
    %slice3A_338 = vector.extract_strided_slice %div3A_276 {offsets = [31, 0, 0], sizes = [1, 50, 128], strides = [1, 1, 1]} : vector<32x64x128xf32> to vector<1x50x128xf32>
    %squeeze3A_339 = vector.shape_cast %slice3A_338 : vector<1x50x128xf32> to vector<50x128xf32>
    %concatenate3A_340 = tpu.concatenate %squeeze3A, %squeeze3A_279, %squeeze3A_281, %squeeze3A_283, %squeeze3A_285, %squeeze3A_287, %squeeze3A_289, %squeeze3A_291, %squeeze3A_293, %squeeze3A_295, %squeeze3A_297, %squeeze3A_299, %squeeze3A_301, %squeeze3A_303, %squeeze3A_305, %squeeze3A_307, %squeeze3A_309, %squeeze3A_311, %squeeze3A_313, %squeeze3A_315, %squeeze3A_317, %squeeze3A_319, %squeeze3A_321, %squeeze3A_323, %squeeze3A_325, %squeeze3A_327, %squeeze3A_329, %squeeze3A_331, %squeeze3A_333, %squeeze3A_335, %squeeze3A_337, %squeeze3A_339 in 0 : vector<50x128xf32>, vector<50x128xf32>, vector<50x128xf32>, vector<50x128xf32>, vector<50x128xf32>, vector<50x128xf32>, vector<50x128xf32>, vector<50x128xf32>, vector<50x128xf32>, vector<50x128xf32>, vector<50x128xf32>, vector<50x128xf32>, vector<50x128xf32>, vector<50x128xf32>, vector<50x128xf32>, vector<50x128xf32>, vector<50x128xf32>, vector<50x128xf32>, vector<50x128xf32>, vector<50x128xf32>, vector<50x128xf32>, vector<50x128xf32>, vector<50x128xf32>, vector<50x128xf32>, vector<50x128xf32>, vector<50x128xf32>, vector<50x128xf32>, vector<50x128xf32>, vector<50x128xf32>, vector<50x128xf32>, vector<50x128xf32>, vector<50x128xf32> -> vector<1600x128xf32>
    %get3A_341 = arith.constant 0 : index
    %get3A_342 = arith.constant 0 : index
    %get3A_343 = vector.load %arg15[%get3A_341, %get3A_342] : memref<128x128xf32, #tpu.memory_space<vmem>>, vector<128x128xf32>
    %dot_general3A_344 = arith.constant dense<0.000000e+00> : vector<1600x128xf32>
    %dot_general3A_345 = tpu.matmul %concatenate3A_340, %get3A_343, %dot_general3A_344 {dimension_numbers = #tpu.dot_dimension_numbers<[1], [0], [0], [1], [0, 0, 1, 1], [], []>, transpose_lhs_hint = false} : vector<1600x128xf32>, vector<128x128xf32>, vector<1600x128xf32> -> vector<1600x128xf32>
    %get3A_346 = arith.constant 0 : index
    %get3A_347 = arith.constant 0 : index
    %get3A_348 = vector.load %arg16[%get3A_346, %get3A_347] : memref<1x128xf32, #tpu.memory_space<vmem>>, vector<1x128xf32>
    %add3A_349 = vector.broadcast %get3A_348 : vector<1x128xf32> to vector<1600x128xf32>
    %add3A_350 = arith.addf %dot_general3A_345, %add3A_349 : vector<1600x128xf32>
    %concatenate3A_351 = tpu.concatenate %mul3A_63, %add3A_350 in 1 : vector<1600x128xf32>, vector<1600x128xf32> -> vector<1600x256xf32>
    %get3A_352 = arith.constant 0 : index
    %get3A_353 = arith.constant 0 : index
    %get3A_354 = vector.load %arg17[%get3A_352, %get3A_353] : memref<256x19xf32, #tpu.memory_space<vmem>>, vector<256x19xf32>
    %dot_general3A_355 = arith.constant dense<0.000000e+00> : vector<1600x19xf32>
    %dot_general3A_356 = tpu.matmul %concatenate3A_351, %get3A_354, %dot_general3A_355 {dimension_numbers = #tpu.dot_dimension_numbers<[1], [0], [0], [1], [0, 0, 1, 1], [], []>, transpose_lhs_hint = false} : vector<1600x256xf32>, vector<256x19xf32>, vector<1600x19xf32> -> vector<1600x19xf32>
    %get3A_357 = arith.constant 0 : index
    %get3A_358 = arith.constant 0 : index
    %get3A_359 = vector.load %arg18[%get3A_357, %get3A_358] : memref<1x19xf32, #tpu.memory_space<vmem>>, vector<1x19xf32>
    %add3A_360 = vector.broadcast %get3A_359 : vector<1x19xf32> to vector<1600x19xf32>
    %add3A_361 = arith.addf %dot_general3A_356, %add3A_360 : vector<1600x19xf32>
    %swap3A = arith.constant 0 : index
    %swap3A_362 = arith.constant 0 : index
    %swap3A_363 = vector.load %arg19[%swap3A, %swap3A_362] : memref<1600x19xf32, #tpu.memory_space<vmem>>, vector<1600x19xf32>
    tpu.vector_store %arg19[%swap3A, %swap3A_362], %add3A_361 {strides = array<i32>} : memref<1600x19xf32, #tpu.memory_space<vmem>>, vector<1600x19xf32>,
    return
  }
  func.func @transform_0(%arg0: i32) -> (i32, i32) {
    %c0_i32 = arith.constant 0 : i32
    %c0_i32_0 = arith.constant 0 : i32
    return %arg0, %c0_i32 : i32, i32
  }
  func.func @transform_1(%arg0: i32) -> (i32, i32) {
    %c0_i32 = arith.constant 0 : i32
    %c0_i32_0 = arith.constant 0 : i32
    return %arg0, %c0_i32 : i32, i32
  }
  func.func @transform_2(%arg0: i32) -> (i32, i32) {
    %c0_i32 = arith.constant 0 : i32
    %c0_i32_0 = arith.constant 0 : i32
    return %arg0, %c0_i32 : i32, i32
  }
  func.func @transform_3(%arg0: i32) -> (i32, i32) {
    %c0_i32 = arith.constant 0 : i32
    %c0_i32_0 = arith.constant 0 : i32
    %c0_i32_1 = arith.constant 0 : i32
    return %c0_i32, %c0_i32_0 : i32, i32
  }
  func.func @transform_4(%arg0: i32) -> (i32, i32) {
    %c0_i32 = arith.constant 0 : i32
    %c0_i32_0 = arith.constant 0 : i32
    %c0_i32_1 = arith.constant 0 : i32
    return %c0_i32, %c0_i32_0 : i32, i32
  }
  func.func @transform_5(%arg0: i32) -> (i32, i32) {
    %c0_i32 = arith.constant 0 : i32
    %c0_i32_0 = arith.constant 0 : i32
    %c0_i32_1 = arith.constant 0 : i32
    return %c0_i32, %c0_i32_0 : i32, i32
  }
  func.func @transform_6(%arg0: i32) -> (i32, i32) {
    %c0_i32 = arith.constant 0 : i32
    %c0_i32_0 = arith.constant 0 : i32
    %c0_i32_1 = arith.constant 0 : i32
    return %c0_i32, %c0_i32_0 : i32, i32
  }
  func.func @transform_7(%arg0: i32) -> (i32, i32) {
    %c0_i32 = arith.constant 0 : i32
    %c0_i32_0 = arith.constant 0 : i32
    %c0_i32_1 = arith.constant 0 : i32
    return %c0_i32, %c0_i32_0 : i32, i32
  }
  func.func @transform_8(%arg0: i32) -> (i32, i32) {
    %c0_i32 = arith.constant 0 : i32
    %c0_i32_0 = arith.constant 0 : i32
    %c0_i32_1 = arith.constant 0 : i32
    return %c0_i32, %c0_i32_0 : i32, i32
  }
  func.func @transform_9(%arg0: i32) -> (i32, i32) {
    %c0_i32 = arith.constant 0 : i32
    %c0_i32_0 = arith.constant 0 : i32
    %c0_i32_1 = arith.constant 0 : i32
    return %c0_i32, %c0_i32_0 : i32, i32
  }
  func.func @transform_10(%arg0: i32) -> (i32, i32) {
    %c0_i32 = arith.constant 0 : i32
    %c0_i32_0 = arith.constant 0 : i32
    %c0_i32_1 = arith.constant 0 : i32
    return %c0_i32, %c0_i32_0 : i32, i32
  }
  func.func @transform_11(%arg0: i32) -> (i32, i32) {
    %c0_i32 = arith.constant 0 : i32
    %c0_i32_0 = arith.constant 0 : i32
    %c0_i32_1 = arith.constant 0 : i32
    return %c0_i32, %c0_i32_0 : i32, i32
  }
  func.func @transform_12(%arg0: i32) -> (i32, i32) {
    %c0_i32 = arith.constant 0 : i32
    %c0_i32_0 = arith.constant 0 : i32
    %c0_i32_1 = arith.constant 0 : i32
    return %c0_i32, %c0_i32_0 : i32, i32
  }
  func.func @transform_13(%arg0: i32) -> (i32, i32) {
    %c0_i32 = arith.constant 0 : i32
    %c0_i32_0 = arith.constant 0 : i32
    %c0_i32_1 = arith.constant 0 : i32
    return %c0_i32, %c0_i32_0 : i32, i32
  }
  func.func @transform_14(%arg0: i32) -> (i32, i32) {
    %c0_i32 = arith.constant 0 : i32
    %c0_i32_0 = arith.constant 0 : i32
    %c0_i32_1 = arith.constant 0 : i32
    return %c0_i32, %c0_i32_0 : i32, i32
  }
  func.func @transform_15(%arg0: i32) -> (i32, i32) {
    %c0_i32 = arith.constant 0 : i32
    %c0_i32_0 = arith.constant 0 : i32
    %c0_i32_1 = arith.constant 0 : i32
    return %c0_i32, %c0_i32_0 : i32, i32
  }
  func.func @transform_16(%arg0: i32) -> (i32, i32) {
    %c0_i32 = arith.constant 0 : i32
    %c0_i32_0 = arith.constant 0 : i32
    %c0_i32_1 = arith.constant 0 : i32
    return %c0_i32, %c0_i32_0 : i32, i32
  }
  func.func @transform_17(%arg0: i32) -> (i32, i32) {
    %c0_i32 = arith.constant 0 : i32
    %c0_i32_0 = arith.constant 0 : i32
    %c0_i32_1 = arith.constant 0 : i32
    return %c0_i32, %c0_i32_0 : i32, i32
  }
  func.func @transform_18(%arg0: i32) -> (i32, i32) {
    %c0_i32 = arith.constant 0 : i32
    %c0_i32_0 = arith.constant 0 : i32
    return %arg0, %c0_i32 : i32, i32
  }
}

</mosaic_0001>

<sc_bundles>
// kernel: sparse-core-data-format-call.cloned.1.call-start
scs
called_computation_lowered:
.L_overlay_start_0:
0x0: {  	s2 =	sld [smem:$0x3FD9]  }
0x1: {  	s3 =	sld [smem:$0x3FFE];
	_ =	sdelay $0x1  }
0x2: {  	s1 =	srdreg.scid  }
0x3: {  	s0 =	sand.u32 $0x1, s1  }
0x4: {  	s18 =	sshll.u32 s0, $0xA;
	s2 =	sadd.s32 s3, s2  }
0x5: {  	s2 =	sadd.s32 s2, s18  }
0x6: {  	[smem:$0x3FB5] =	sst s2  }
0x7: {  	_ = 	snop  }
0x8: {  	s2 =	sld [smem:$0x3FC8];
	(tm) =	ssettm $0x1  }
0x9: {  	s19 =	sld [smem:$0x3FFB];
	_ =	sdelay $0x3  }
0xa: {  	_ =	strace s19  }
0xb: {  	s3 =	sld [smem:$0x3FFC];
	_ =	sdelay $0x3  }
0xc: {  	_ =	strace s3  }
0xd: {  	s3 =	sld [smem:$0x3FFD];
	_ =	sdelay $0x3  }
0xe: {  	_ =	strace s3  }
0xf: {  	_ =	strace $0x8FFFFFFF  }
0x10: {  	s20 =	sld [smem:$0x3FDB];
	_ =	sdelay $0x1  }
0x11: {  	s4 =	simm.s32 $_scs_section_size  }
0x12: {  	s5 =	simm.s32 $_size__tile_overlayer_lowered;
	s6 =	simm.s32 $_tile_overlayer_lowered  }
0x13: {  	s23 =	simm.s32 $0x1BFF;
	s22 =	sshll.u32 s6, $0x1;
	s3 =	sadd.s32 s4, s20  }
0x14: {  	s7 =	simm.s32 $0x0;
	s21 =	sshll.u32 s5, $0x1;
	s5 =	sadd.s32 s22, s3  }
0x15: {  	[timem:s7], [sflag:s23] =	dma.local [hbm:s5], s21  }
0x16: {  	_ =	swait.ge [sflag:s23], s21  }
0x17: {  	s4 =	ssub.s32 $0x0, s21;
	[sflag:s23] =	ssyncset.done $0x0  }
0x18: {  	[sflag:s23] =	ssyncadd.s32 s4;
	_ =	sdelay $0x1  }
0x19: {  	s24 =	simm.s32 $0x1B8B  }
0x1a: {  	_ =	swait.ge [sflag:s24], $0x1  }
0x1b: {  	[sflag:s24] =	ssyncset.done $0x0  }
0x1c: {  	s26 =	simm.s32 $0x1B8E;
	s25 =	sld [smem:$0x3FFE];
	[sflag:s24] =	ssyncadd.s32 $0xFFFFFFFF  }
0x1d: {  	s27 =	simm.s32 $execute0_lowered;
	[smem:$0x3FD2] =	sst s26  }
0x1e: {  	s5 =	sshll.u32 s27, $0x1;
	_ =	strace $0x80000046;
	[dreg:$0x1] =	wrdreg $0xFFFFFFFF  }
0x1f: {  	s28 =	simm.s32 $_size_execute0_lowered;
	s3 =	sadd.s32 s3, s5;
	[dreg:$0x0] =	wrdreg $0x0  }
0x20: {  	s5 =	sshll.u32 s28, $0x1;
	[dreg:$0x2] =	wrdreg s3  }
0x21: {  	[dreg:$0x3] =	wrdreg s5  }
0x22: {  	[dreg:$0x4] =	wrdreg $0xC0  }
0x23: {  	_ =	task [dreg:s7], $0x5FFFF  }
0x24: {  	[dreg:$0x1] =	wrdreg $0xFFFFFFFF  }
0x25: {  	[dreg:$0x0] =	wrdreg $0x60  }
0x26: {  	[dreg:$0x2] =	wrdreg s2  }
0x27: {  	[dreg:$0x3] =	wrdreg s25  }
0x28: {  	[dreg:$0x4] =	wrdreg $0x9  }
0x29: {  	_ =	task.clear_ibuf [dreg:s7], $0x5FFFF;
	_ =	strace $0x90000046  }
0x2a: {  	s29 =	simm.s32 $0x9;
	_ =	strace $0x80000048  }
0x2b: {  	_ =	swait.ge [sflag:s29], $0x1  }
0x2c: {  	[sflag:s29] =	ssyncadd.s32 $0xFFFFFFFF  }
0x2d: {  	_ =	strace $0x90000048  }
0x2e: {  	_ =	sfence  }
0x2f: {  	s30 =	sld [smem:$0x0];
	_ =	sdelay $0x2  }
0x30: {  	s31 =	sshll.u32 s1, $0xD;
	s1 =	sshrl.u32 s1, $0x2  }
0x31: {  	s3 =	sand.u32 $0x4000, s31;
	s1 =	sadd.s32 s1, s30  }
0x32: {  	s0 =	sor.u32 s3, s0;
	s1 =	sshll.u32 s1, $0x11  }
0x33: {  	s0 =	sor.u32 s1, s0  }
0x34: {  	s0 =	sadd.s32 $0x8F2B, s0  }
0x35: {  	[sflag:s0] =	ssyncadd.remote.s32 $0x1  }
0x36: {  	_ =	sfence.sel $0xFFFF  }
0x37: {  	[dreg:$0x0] =	wrdreg $0xFFFFFFFF;
	(pc) =	sbr.abs _section_cstart, $3  }
0x38: {  	[dreg:$0x1] =	wrdreg $0xFFFFFFFF  }
0x39: {  	_ =	task.clear_ibuf [dreg:s7], $0x2FFFF;
	_ =	strace $0x9FFFFFFF  }
0x3a: {  	(tm) =	ssettm $0x7FFFFFFF  }
0x3b: {  	_ =	shalt  }
tec
execute0_lowered:
.L_overlay_start_1:
0x0: {  	(tag) =	ssettag $0x1  }
0x1: {  	s0 =	srdreg.scid  }
0x2: {  	s1 =	sshll.u32 s0, $0x4  }
0x3: {  	s2 =	rddreg [dreg:$0x0];
	s0 =	stileid.u32;
	s1 =	sand.u32 $0x10, s1  }
0x4: {  	s6 =	rddreg [dreg:$0x1];
	s1 =	sor.u32 s0, s1  }
0x5: {  	s7 =	simm.s32 $0x1;
	s8 =	simm.s32 $0x2;
	s3 =	sshll.u32 s1, $0x3  }
0x6: {  	s11 =	simm.s32 $0x0;
	s10 =	simm.s32 $0x0;
	s5 =	ssub.s32 $0x1900, s3  }
.Ltmp0:
0x7: {  	s6 =	sadd.s32 $0x2C00, s6;
	s4 =	sand.u32 $0xF8, s5;
	(pc) =	sbr.rel .LBB1_1-.Ltmp0, $4  }
0x8: {  	s1 =	rddreg [dreg:$0x2];
	_ =	strace $0x80000047;
	p0 =	sne.s32 s4, $0x0  }
0x9: {  	s5 =	sshrl.u32 s5, $0x8;
	s4 =	simm.s32 $0x1;
	s7 =	simm.s32 @!p0 $0x0  }
0xa: {  	s9 =	smov.u32 s3;
	[sflag:s4] =	ssyncpa.u1 $0x0;
	s5 =	sadd.s32 s7, s5  }
0xb: {  	[sflag:s8] =	ssyncpa.u1 $0x0;
	s8 =	simm.s32 $0x0;
	s7 =	sadd.s32 $0x1, s5  }
.LBB1_9:
0xc: {  	s13 =	sadd.s32 $0x100, s9  }
0xd: {  	p1 =	sgt.s32 s13, $0x18FF  }
0xe: {  	s13 =	smov.u32 @p1 s3;
	p1 =	sne.s32 s10, s7  }
.Ltmp1:
0xf: {  	p0 =	slt.u32 s10, $0x2;
	(pc) =	sbr.rel @!p1 .LBB1_10-.Ltmp1, $4  }
0x10: {  	s12 =	simm.s32 @!p0 $0x2  }
0x11: {  	_ =	swait.ge @!p0 [sflag:s12], $0x4000  }
0x12: {  	s14 =	sadd.s32 $0x1, s10;
	s11 =	smov.u32 s9;
	[sflag:s12] =	ssyncset.done @!p0 $0x0  }
0x13: {  	s10 =	smov.u32 s14;
	s9 =	smov.u32 s13;
	[sflag:s12] =	ssyncadd.s32 @!p0 $0xFFFFC000  }
.LBB1_1:
0x14: {  	p0 =	sge.u32 s10, s5  }
0x15: {  	s12 =	sxor.u32 @!p0 $0xFFFFFFFF, s10  }
0x16: {  	s31 =	sadd.s32 $0xFFFFFFFF, s10;
	s13 =	sshll.u32 @!p0 s9, $0x8;
	s12 =	sshll.u32 @!p0 s12, $0xE  }
0x17: {  	s14 =	simm.s32 @!p0 $0x0;
	s13 =	sadd.s32 @!p0 s2, s13;
	s12 =	sand.u32 @!p0 $0x4000, s12  }
0x18: {  	[tilespmem:s12], [sflag:$0x1] =	stream.linear.gather @!p0 [hbm4b:s13+s14], $0x4000, $0x38;
	[tilespmem:$0x10000] =	vst v63  }
0x19: {  	p0 =	sge.u32 s31, s5  }
.Ltmp2:
0x1a: {  	_ = 	snop;
	(pc) =	sbr.rel @p0 .LBB1_9-.Ltmp2, $1  }
0x1b: {  	_ =	sdelay $0x3  }
0x1c: {  	_ =	swait.ge [sflag:s4], $0x4000;
	s12 =	sshll.u32 s10, $0xE  }
0x1d: {  	[sflag:s4] =	ssyncset.done $0x0;
	s13 =	sand.u32 $0x4000, s12  }
0x1e: {  	s14 =	simm.s32 $0x0;
	[sflag:s4] =	ssyncadd.s32 $0xFFFFC000;
	s12 =	sor.u32 $0x8000, s13  }
.LBB1_3:
0x1f: {  	s16 =	sshll.u32 s14, $0xB  }
0x20: {  	s17 =	simm.s32 $0x0;
	s15 =	sadd.s32 s16, s13;
	s16 =	sadd.s32 s16, s12  }
.LBB1_4:
0x21: {  	s18 =	sshll.u32 s17, $0x8  }
0x22: {  	s18 =	sand.u32 $0x3FFFFF00, s18  }
0x23: {  	s19 =	sshll.u32 s17, $0x7;
	s20 =	sadd.s32 s18, s15  }
0x24: {  	s19 =	sand.u32 $0x3FFFFF80, s19;
	v0 =	vmov s20  }
0x25: {  	s19 =	sadd.s32 s19, s16  }
0x26: {  	p0 =	por $0x1, $0x1;
	s18 =	simm.s32 $0x0;
	v1 =	vmov s19  }
.LBB1_5:
0x27: {  	s19 =	sshll.u32 s18, $0x7  }
0x28: {  	s19 =	sand.u32 $0x3FFFFF80, s19  }
0x29: {  	v2 =	vld.idx.msk [tilespmem:v0+s19+$0x0 ss:$0x1], $0xffff  }
0x2a: {  	v3 =	vld.idx.msk [tilespmem:v0+s19+$0x10 ss:$0x1], $0xffff  }
0x2b: {  	v4 =	vld.idx.msk [tilespmem:v0+s19+$0x20 ss:$0x1], $0xffff  }
0x2c: {  	s31 =	sshll.u32 s18, $0xA;
	v5 =	vld.idx.msk [tilespmem:v0+s19+$0x30 ss:$0x1], $0xffff  }
0x2d: {  	s18 =	sand.u32 $0x3FFFFC00, s31;
	v6 =	vld.idx.msk [tilespmem:v0+s19+$0x40 ss:$0x1], $0xffff  }
0x2e: {  	v63 =	vld.idx.msk [tilespmem:v0+s19+$0x70 ss:$0x1], $0xffff;
	[tilespmem:v1+s18+$0x0 ss:$0x1] =	vst.idx.msk $0xffff, v2  }
0x2f: {  	v2 =	vld.idx.msk [tilespmem:v0+s19+$0x50 ss:$0x1], $0xffff;
	[tilespmem:v1+s18+$0x10 ss:$0x1] =	vst.idx.msk $0xffff, v3  }
0x30: {  	p1 =	por p0, p0;
	v3 =	vld.idx.msk [tilespmem:v0+s19+$0x60 ss:$0x1], $0xffff;
	[tilespmem:v1+s18+$0x20 ss:$0x1] =	vst.idx.msk $0xffff, v4  }
.Ltmp3:
0x31: {  	[tilespmem:v1+s18+$0x30 ss:$0x1] =	vst.idx.msk $0xffff, v5;
	(pc) =	sbr.rel @p1 .LBB1_5-.Ltmp3, $4  }
0x32: {  	[tilespmem:v1+s18+$0x40 ss:$0x1] =	vst.idx.msk $0xffff, v6  }
0x33: {  	[tilespmem:v1+s18+$0x70 ss:$0x1] =	vst.idx.msk $0xffff, v63  }
0x34: {  	[tilespmem:v1+s18+$0x50 ss:$0x1] =	vst.idx.msk $0xffff, v2  }
0x35: {  	p0 =	por $0x0, $0x0;
	[tilespmem:v1+s18+$0x60 ss:$0x1] =	vst.idx.msk $0xffff, v3;
	s18 =	simm.s32 $0x1  }
0x36: {  	s17 =	sadd.s32 $0x1, s17  }
0x37: {  	p0 =	sne.s32 s17, $0x8  }
.Ltmp4:
0x38: {  	_ = 	snop;
	(pc) =	sbr.rel @p0 .LBB1_4-.Ltmp4, $1  }
0x39: {  	_ =	sdelay $0x3  }
0x3a: {  	s14 =	sadd.s32 $0x1, s14  }
0x3b: {  	p0 =	sne.s32 s14, $0x8  }
.Ltmp5:
0x3c: {  	_ = 	snop;
	(pc) =	sbr.rel @p0 .LBB1_3-.Ltmp5, $1  }
0x3d: {  	_ =	sdelay $0x3  }
.Ltmp6:
0x3e: {  	(pc) =	sbr.rel .LBB1_9-.Ltmp6, $4  }
0x3f: {  	_ = 	snop  }
0x40: {  	s11 =	sshll.u32 s11, $0x8  }
0x41: {  	s11 =	sadd.s32 s6, s11  }
0x42: {  	[hbm4b:s11+s8] =	stream.linear.scatter [tilespmem:s12], [sflag:$0x2], $0x4000, $0x38;
	[tilespmem:$0x10000] =	vst v63  }
.LBB1_10:
0x43: {  	_ =	sfence.sel $0x180000  }
0x44: {  	s2 =	simm.s32 $0x1;
	[bflag:$0x0] =	sbarrier.arrive $0xFFFF  }
0x45: {  	s31 =	simm.s32 $0x2;
	[sflag:s2] =	ssyncpa.u1 $0x1  }
0x46: {  	[sflag:s31] =	ssyncpa.u1 $0x1  }
0x47: {  	p0 =	sne.s32 s0, $0x0;
	_ =	strace $0x90000047  }
0x48: {  	s0 =	sadd.s32 @!p0 $0x100000, s1;
	[bflag:$0x2] =	sbarrier.arrive $0xFFFF  }
0x49: {  	[sflag:s0] =	ssyncadd.tile.s32 @!p0 $0x1;
	_ =	shalt  }
.Lfunc_end1:
_tile_overlayer_lowered:
.L_overlay_start_2:
0x4a: {  	(tag) =	ssettag $0x2  }
0x4b: {  	s0 =	rddreg [dreg:$0x0];
	s2 =	stileid.u32  }
0x4c: {  	s1 =	rddreg [dreg:$0x1];
	p0 =	sne.s32 s2, $0x0  }
0x4d: {  	s3 =	rddreg [dreg:$0x2];
	[bflag:$0x3] =	sbarrier.arrive $0xFFFF;
	s2 =	simm.s32 @!p0 $0x1C01  }
0x4e: {  	[timem:s3], [sflag:s2] =	dma.local @!p0 [hbm:s0], s1  }
0x4f: {  	s0 =	simm.s32 @!p0 $0x1  }
0x50: {  	_ =	swait.ge @!p0 [sflag:s0], s1  }
0x51: {  	s1 =	ssub.s32 @!p0 $0x0, s1;
	[sflag:s0] =	ssyncset.done @!p0 $0x0  }
0x52: {  	[sflag:s0] =	ssyncadd.s32 @!p0 s1  }
0x53: {  	[bflag:$0x3] =	sbarrier.arrive $0xFFFF  }
0x54: {  	_ =	shalt  }

</sc_bundles>
